<compile_context>
chip_gen: v7x
topology: tpu7x:2x2x1
jax: 0.10.2.dev20260603
libtpu: 0.0.44.dev20260713+nightly
codegen_flags: <defaults>
</compile_context>

<pallas_src>
import functools

import jax
import jax.numpy as jnp
from jax import lax
from jax.experimental import pallas as pl
from jax.experimental.pallas import tpu as pltpu
from jax.experimental.pallas import tpu_sc as plsc

B = 4
IN_CH = 3
HID = 128
RES = 64
NLAYERS = 2
K = 8192
CDIM = 32
HW = 224
COMMIT = 0.25
ORTHO_W = 1.0

N = B * 56 * 56
_PREC = lax.Precision.HIGHEST

ROWS_BLK = 1792
K_CHUNK = 2048



def _conv(x, w, b, stride, pad):
    y = lax.conv_general_dilated(
        x, w, (stride, stride), ((pad, pad), (pad, pad)),
        dimension_numbers=('NCHW', 'OIHW', 'NCHW'))
    return y + b[None, :, None, None]


def _deconv(x, w, b):
    y = lax.conv_transpose(x, w, (2, 2), 'SAME',
                           dimension_numbers=('NCHW', 'OIHW', 'NCHW'))
    return y + b[None, :, None, None]


def _residual_stack(h, w3, b3, w1, b1):
    for i in range(NLAYERS):
        r = jax.nn.relu(h)
        r = jax.nn.relu(_conv(r, w3[i], b3[i], 1, 1))
        r = _conv(r, w1[i], b1[i], 1, 0)
        h = h + r
    return jax.nn.relu(h)



def _norm32(p):
    a = p * p
    s = a[:, 0:8] + a[:, 8:16]
    s = s + a[:, 16:24]
    s = s + a[:, 24:32]
    t = s[:, 0:4] + s[:, 4:8]
    t = t[:, 0:2] + t[:, 2:4]
    t = t[:, 0:1] + t[:, 1:2]
    return jnp.sqrt(t)


def _latn_body(p_ref, latn_ref):
    p = p_ref[...]
    latn_ref[...] = p / (_norm32(p) + 1e-12)


def _latn_call(p):
    return pl.pallas_call(
        _latn_body,
        grid=(N // ROWS_BLK,),
        in_specs=[pl.BlockSpec((ROWS_BLK, CDIM), lambda i: (i, 0))],
        out_specs=pl.BlockSpec((ROWS_BLK, CDIM), lambda i: (i, 0)),
        out_shape=jax.ShapeDtypeStruct((N, CDIM), jnp.float32),
    )(p)



def _cbn_body(cb_ref, cbn_ref):
    cb = cb_ref[...]
    cbn_ref[...] = cb / (_norm32(cb) + 1e-12)


def _cbn_call(codebook):
    return pl.pallas_call(
        _cbn_body,
        out_shape=jax.ShapeDtypeStruct((K, CDIM), jnp.float32),
    )(codebook)



def _argmax_body(latn_ref, cbn_ref, ind_ref):
    latn = latn_ref[...]

    def step(c, carry):
        best_s, best_i = carry
        cbc = cbn_ref[pl.ds(c * K_CHUNK, K_CHUNK), :]
        s = lax.dot_general(latn.astype(jnp.bfloat16), cbc.astype(jnp.bfloat16),
                            (((1,), (1,)), ((), ())),
                            preferred_element_type=jnp.float32)
        m = jnp.max(s, axis=1)
        iota = lax.broadcasted_iota(jnp.int32, s.shape, 1)
        idx = jnp.min(jnp.where(s == m[:, None], iota, K), axis=1) + c * K_CHUNK
        upd = m > best_s
        return jnp.where(upd, m, best_s), jnp.where(upd, idx, best_i)

    init = (jnp.full((ROWS_BLK,), -jnp.inf, jnp.float32),
            jnp.zeros((ROWS_BLK,), jnp.int32))
    _, best_i = lax.fori_loop(0, K // K_CHUNK, step, init)
    ind_ref[...] = best_i.reshape(1, 1, ROWS_BLK)


def _argmax_call(latn, cbn):
    return pl.pallas_call(
        _argmax_body,
        grid=(N // ROWS_BLK,),
        in_specs=[
            pl.BlockSpec((ROWS_BLK, CDIM), lambda i: (i, 0)),
            pl.BlockSpec((K, CDIM), lambda i: (0, 0)),
        ],
        out_specs=pl.BlockSpec((1, 1, ROWS_BLK), lambda i: (i, 0, 0)),
        out_shape=jax.ShapeDtypeStruct((N // ROWS_BLK, 1, ROWS_BLK), jnp.int32),
    )(latn, cbn)



_NC = 2
_NS = 16
_NW = _NC * _NS
BPW = N // _NW
BPAD = 400
_GCHUNK = 128


_GD = 128


def _sc_gather_body(cb_hbm, idx_hbm, quant_hbm, counts_hbm, idx_v, rows_v, cnt_v, sem):
    wid = lax.axis_index("c") * _NS + lax.axis_index("s")
    base = wid * BPW
    idx_v[pl.ds(384, 16)] = jnp.zeros((16,), jnp.int32)
    pltpu.sync_copy(idx_hbm.at[pl.ds(base, BPW)], idx_v.at[pl.ds(0, BPW)])
    for ch in range(4):
        off = ch * _GCHUNK
        ln = _GCHUNK if ch < 3 else BPAD - 3 * _GCHUNK
        pltpu.async_copy(cb_hbm.at[idx_v.at[pl.ds(off, ln)]],
                         rows_v.at[pl.ds(off, ln)], sem).wait()
    pltpu.sync_copy(rows_v.at[pl.ds(0, BPW)], quant_hbm.at[pl.ds(base, BPW)])
    zeros16 = jnp.zeros((16,), jnp.float32)

    def zero_step(j, carry):
        cnt_v[pl.ds(j * 16, 16)] = zeros16
        return carry

    lax.fori_loop(0, K // 16, zero_step, 0)
    ones16 = jnp.ones((16,), jnp.float32)
    lane = lax.iota(jnp.int32, 16)

    def cnt_step(j, carry):
        idxs = idx_v[pl.ds(j * 16, 16)]
        mask = (j * 16 + lane) < BPW
        plsc.addupdate_scatter(cnt_v, [idxs], ones16, mask=mask)
        return carry

    lax.fori_loop(0, BPAD // 16, cnt_step, 0)
    pltpu.sync_copy(cnt_v, counts_hbm.at[wid])


@functools.lru_cache(maxsize=1)
def _sc_gather_kernel():
    return pl.kernel(
        _sc_gather_body,
        out_type=(jax.ShapeDtypeStruct((N, _GD), jnp.float32),
                  jax.ShapeDtypeStruct((_NW, K), jnp.float32)),
        mesh=plsc.VectorSubcoreMesh(core_axis_name="c", subcore_axis_name="s"),
        scratch_types=[
            pltpu.VMEM((BPAD,), jnp.int32),
            pltpu.VMEM((BPAD, _GD), jnp.float32),
            pltpu.VMEM((K,), jnp.float32),
            pltpu.SemaphoreType.DMA,
        ],
        compiler_params=pltpu.CompilerParams(needs_layout_passes=False),
    )


def _sc_gather(codebook, embed_flat):
    cb_pad = jnp.pad(codebook, ((0, 0), (0, _GD - CDIM)))
    return _sc_gather_kernel()(cb_pad, embed_flat)



def _post_body(quant_ref, latn_ref, cbn_ref, pow_ref, pob_ref, cnt_ref,
               q_ref, scal_ref):
    quant = quant_ref[...][:, :CDIM]
    q_ref[...] = lax.dot_general(quant.astype(jnp.bfloat16),
                                 pow_ref[...].astype(jnp.bfloat16),
                                 (((1,), (1,)), ((), ())),
                                 preferred_element_type=jnp.float32) + pob_ref[...]
    d = quant - latn_ref[...]
    commit = jnp.sum(d * d) / (N * CDIM)
    cbn = cbn_ref[...]
    g = lax.dot_general(cbn, cbn, (((0,), (0,)), ((), ())), precision=_PREC)
    ortho = (jnp.sum(g * g) - K) / (K * (K - 1.0))
    counts = jnp.sum(cnt_ref[...], axis=0)
    probs = counts / N
    perp = jnp.exp(-jnp.sum(probs * jnp.log(probs + 1e-10)))
    i = lax.broadcasted_iota(jnp.int32, (1, 128), 1)
    scal_ref[...] = jnp.where(i == 0, commit,
                              jnp.where(i == 1, ortho,
                                        jnp.where(i == 2, perp, 0.0)))


def _post_call(quant, latn, cbn, proj_out_w, proj_out_b, counts32):
    return pl.pallas_call(
        _post_body,
        out_shape=[
            jax.ShapeDtypeStruct((N, HID), jnp.float32),
            jax.ShapeDtypeStruct((1, 128), jnp.float32),
        ],
    )(quant, latn, cbn, proj_out_w, proj_out_b.reshape(1, HID), counts32)



def _recon_body(a_ref, b_ref, out_ref):
    d = a_ref[...] - b_ref[...]
    s = jnp.sum(d * d) / (B * IN_CH * HW * HW)
    out_ref[...] = s * jnp.ones((1, 128), jnp.float32)


def _recon_call(x_recon, x):
    flat = B * IN_CH * HW * HW // 128
    return pl.pallas_call(
        _recon_body,
        out_shape=jax.ShapeDtypeStruct((1, 128), jnp.float32),
    )(x_recon.reshape(flat, 128), x.reshape(flat, 128))



def kernel(x, enc_w1, enc_b1, enc_w2, enc_b2, enc_w3, enc_b3, enc_res_w3,
           enc_res_b3, enc_res_w1, enc_res_b1, proj_in_w, proj_in_b, codebook,
           proj_out_w, proj_out_b, dec_w1, dec_b1, dec_res_w3, dec_res_b3,
           dec_res_w1, dec_res_b1, dec_tw1, dec_tb1, dec_tw2, dec_tb2):
    h = jax.nn.relu(_conv(x, enc_w1, enc_b1, 2, 1))
    h = jax.nn.relu(_conv(h, enc_w2, enc_b2, 2, 1))
    h = _conv(h, enc_w3, enc_b3, 1, 1)
    z = _residual_stack(h, enc_res_w3, enc_res_b3, enc_res_w1, enc_res_b1)
    bsz, ch, hh, ww = z.shape
    lat3 = z.transpose(0, 2, 3, 1).reshape(bsz, hh * ww, ch)
    p = (lat3 @ proj_in_w.T + proj_in_b).reshape(N, CDIM)

    latn = _latn_call(p)
    cbn = _cbn_call(codebook)
    embed_blk = _argmax_call(latn, cbn)
    embed_flat = embed_blk.reshape(N)
    quant, counts32 = _sc_gather(codebook, embed_flat)
    q, scal = _post_call(quant, latn, cbn, proj_out_w, proj_out_b, counts32)
    commit_loss = scal[0, 0]
    ortho_loss = scal[0, 1]
    perplexity = scal[0, 2]

    q_img = q.reshape(bsz, hh, ww, HID).transpose(0, 3, 1, 2)
    h2 = _conv(q_img, dec_w1, dec_b1, 1, 1)
    h2 = _residual_stack(h2, dec_res_w3, dec_res_b3, dec_res_w1, dec_res_b1)
    h2 = jax.nn.relu(_deconv(h2, dec_tw1, dec_tb1))
    x_recon = _deconv(h2, dec_tw2, dec_tb2)

    recon_loss = _recon_call(x_recon, x)[0, 0]
    vq_loss = COMMIT * commit_loss + ORTHO_W * ortho_loss
    loss = recon_loss + vq_loss
    embed_ind = embed_flat.reshape(bsz, hh * ww)
    return (q_img, x_recon, loss, recon_loss, vq_loss, commit_loss,
            ortho_loss, embed_ind, perplexity)

# --- scband reference (transcript-rebuilt; emitter-appended) ---
"""Pipeline reference for scband-vqvae-42966852829356 (READ-ONLY COPY).

The authoritative reference and input builder live on the scoring server;
editing this copy changes nothing except your own understanding.
"""

import jax, jax.numpy as jnp
import numpy as np

B = 4
IN_CH = 3
HID = 128
RES = 64
NLAYERS = 2
K = 8192
CDIM = 32
HW = 224
COMMIT = 0.25
ORTHO_W = 1.0

def conv(x, w, b, stride, pad):
    y = jax.lax.conv_general_dilated(x, w, (stride, stride), ((pad, pad), (pad, pad)), dimension_numbers=('NCHW', 'OIHW', 'NCHW'))
    return y + b[None, :, None, None]

def deconv(x, w, b):
    y = jax.lax.conv_transpose(x, w, (2, 2), 'SAME', dimension_numbers=('NCHW', 'OIHW', 'NCHW'))
    return y + b[None, :, None, None]

def l2norm(t):
    return t / (jnp.linalg.norm(t, axis=-1, keepdims=True) + 1e-12)

def setup_inputs(seed: int = 0):
    key = jax.random.key(seed)
    ks = jax.random.split(key, 32)
    def p(i, shape, scale=0.02):
        return jax.random.normal(ks[i], shape, dtype=jnp.float32) * scale
    return {
        'x': jax.random.normal(ks[0], (B, IN_CH, HW, HW), dtype=jnp.float32),
        'enc_w1': p(1, (HID // 2, IN_CH, 4, 4)), 'enc_b1': jnp.zeros((HID // 2,), jnp.float32),
        'enc_w2': p(2, (HID, HID // 2, 4, 4)), 'enc_b2': jnp.zeros((HID,), jnp.float32),
        'enc_w3': p(3, (HID, HID, 3, 3)), 'enc_b3': jnp.zeros((HID,), jnp.float32),
        'enc_res_w3': p(4, (NLAYERS, RES, HID, 3, 3)), 'enc_res_b3': jnp.zeros((NLAYERS, RES), jnp.float32),
        'enc_res_w1': p(5, (NLAYERS, HID, RES, 1, 1)), 'enc_res_b1': jnp.zeros((NLAYERS, HID), jnp.float32),
        'proj_in_w': p(6, (CDIM, HID)), 'proj_in_b': jnp.zeros((CDIM,), jnp.float32),
        'codebook': jax.random.normal(ks[7], (K, CDIM), dtype=jnp.float32),
        'proj_out_w': p(8, (HID, CDIM)), 'proj_out_b': jnp.zeros((HID,), jnp.float32),
        'dec_w1': p(9, (HID, HID, 3, 3)), 'dec_b1': jnp.zeros((HID,), jnp.float32),
        'dec_res_w3': p(10, (NLAYERS, RES, HID, 3, 3)), 'dec_res_b3': jnp.zeros((NLAYERS, RES), jnp.float32),
        'dec_res_w1': p(11, (NLAYERS, HID, RES, 1, 1)), 'dec_res_b1': jnp.zeros((NLAYERS, HID), jnp.float32),
        'dec_tw1': p(12, (HID // 2, HID, 4, 4)), 'dec_tb1': jnp.zeros((HID // 2,), jnp.float32),
        'dec_tw2': p(13, (IN_CH, HID // 2, 4, 4)), 'dec_tb2': jnp.zeros((IN_CH,), jnp.float32),
    }

def _residual_stack(h, w3, b3, w1, b1):
    for i in range(NLAYERS):
        r = jax.nn.relu(h)
        r = jax.nn.relu(conv(r, w3[i], b3[i], 1, 1))
        r = conv(r, w1[i], b1[i], 1, 0)
        h = h + r
    return jax.nn.relu(h)

def reference(x, enc_w1, enc_b1, enc_w2, enc_b2, enc_w3, enc_b3, enc_res_w3, enc_res_b3, enc_res_w1, enc_res_b1, proj_in_w, proj_in_b, codebook, proj_out_w, proj_out_b, dec_w1, dec_b1, dec_res_w3, dec_res_b3, dec_res_w1, dec_res_b1, dec_tw1, dec_tb1, dec_tw2, dec_tb2):
    h = jax.nn.relu(conv(x, enc_w1, enc_b1, 2, 1))
    h = jax.nn.relu(conv(h, enc_w2, enc_b2, 2, 1))
    h = conv(h, enc_w3, enc_b3, 1, 1)
    z = _residual_stack(h, enc_res_w3, enc_res_b3, enc_res_w1, enc_res_b1)
    Bv, C, Hh, Ww = z.shape
    lat = z.transpose(0, 2, 3, 1).reshape(Bv, Hh * Ww, C)
    lat = lat @ proj_in_w.T + proj_in_b
    latn = l2norm(lat)
    cbn = l2norm(codebook)
    cbn_sg = jax.lax.stop_gradient(cbn)
    def _nearest(lat_b):
        return jnp.argmax(lat_b @ cbn_sg.T, axis=-1)
    embed_ind = jax.lax.map(_nearest, jax.lax.stop_gradient(latn))
    quantize = jnp.take(codebook, embed_ind, axis=0)
    commit_loss = jnp.mean((jax.lax.stop_gradient(quantize) - latn) ** 2)
    G = cbn.T @ cbn
    ortho_loss = (jnp.sum(G ** 2) - K) / (K * (K - 1))
    vq_loss = COMMIT * commit_loss + ORTHO_W * ortho_loss
    q_st = latn + jax.lax.stop_gradient(quantize - latn)
    q = q_st @ proj_out_w.T + proj_out_b
    q_img = q.reshape(Bv, Hh, Ww, C).transpose(0, 3, 1, 2)
    h2 = conv(q_img, dec_w1, dec_b1, 1, 1)
    h2 = _residual_stack(h2, dec_res_w3, dec_res_b3, dec_res_w1, dec_res_b1)
    h2 = jax.nn.relu(deconv(h2, dec_tw1, dec_tb1))
    x_recon = deconv(h2, dec_tw2, dec_tb2)
    recon_loss = jnp.mean((x_recon - x) ** 2)
    loss = recon_loss + vq_loss
    counts = jnp.bincount(embed_ind.reshape(-1), length=K)
    probs = counts / embed_ind.size
    perplexity = jnp.exp(-jnp.sum(probs * jnp.log(probs + 1e-10)))
    return (q_img, x_recon, loss, recon_loss, vq_loss, commit_loss, ortho_loss, embed_ind, perplexity)

if __name__ == "__main__":
    import jax
    _d = setup_inputs()
    print(jax.jit(kernel)(*tuple(_d.values())))

</pallas_src>

<mosaic_0001>
#map = affine_map<(d0, d1) -> (0, 0)>
#map1 = affine_map<(d0, d1) -> (0)>
module attributes {stable_mosaic.version = 14 : i64} {
  func.func @_sc_gather_body(%arg0: i32, %arg1: i32, %arg2: memref<8192x128xf32, #tpu.memory_space<hbm>>, %arg3: memref<12544xi32, #tpu.memory_space<hbm>>, %arg4: memref<12544x128xf32, #tpu.memory_space<hbm>>, %arg5: memref<32x8192xf32, #tpu.memory_space<hbm>>, %arg6: memref<400xi32, #tpu.memory_space<vmem>>, %arg7: memref<400x128xf32, #tpu.memory_space<vmem>>, %arg8: memref<8192xf32, #tpu.memory_space<vmem>>, %arg9: memref<!tpu.dma_semaphore, #tpu.memory_space<semaphore_mem>>) attributes {dimension_semantics = [#tpu.dimension_semantics<core_parallel>, #tpu.dimension_semantics<subcore_parallel>], iteration_bounds = array<i64: 2, 16>, scalar_prefetch = 0 : i64, scratch_operands = 4 : i64, tpu.core_type = #tpu.core_type<sc_vector_subcore>, window_params = [{transform_indices = #map}, {transform_indices = #map1}, {transform_indices = #map}, {transform_indices = #map}]} {
    %mul3A = arith.constant 16 : i32
    %mul3A_0 = arith.muli %arg0, %mul3A : i32
    %add3A = arith.addi %mul3A_0, %arg1 : i32
    %mul3A_1 = arith.constant 392 : i32
    %mul3A_2 = arith.muli %add3A, %mul3A_1 : i32
    %broadcast_in_dim3A = arith.constant 0 : i32
    %broadcast_in_dim3A_3 = vector.broadcast %broadcast_in_dim3A : i32 to vector<16xi32>
    %swap3A = arith.constant 384 : index
    %swap3A_4 = tpu.vector_load %arg6[%swap3A] {strides = array<i32>} : memref<400xi32, #tpu.memory_space<vmem>>, vector<16xi32>,
    tpu.vector_store %arg6[%swap3A], %broadcast_in_dim3A_3 {strides = array<i32>} : memref<400xi32, #tpu.memory_space<vmem>>, vector<16xi32>,
    "tpu.region"() ({
      %run_scoped3A = tpu.sem_alloc : memref<!tpu.dma_semaphore, #tpu.memory_space<semaphore_mem>>
      %dma_start3A_82 = arith.constant 0 : i32
      %dma_start3A_83 = tpu.memref_slice %arg6[%dma_start3A_82] : memref<400xi32, #tpu.memory_space<vmem>> -> memref<392xi32, #tpu.memory_space<vmem>>
      %dma_start3A_84 = tpu.memref_slice %arg3[%mul3A_2] : memref<12544xi32, #tpu.memory_space<hbm>> -> memref<392xi32, #tpu.memory_space<hbm>>
      %dma_start3A_85 = arith.constant 0 : i32
      %dma_start3A_86 = tpu.memref_slice %arg6[%dma_start3A_85] : memref<400xi32, #tpu.memory_space<vmem>> -> memref<392xi32, #tpu.memory_space<vmem>>
      %dma_start3A_87 = tpu.memref_slice %arg3[%mul3A_2] : memref<12544xi32, #tpu.memory_space<hbm>> -> memref<392xi32, #tpu.memory_space<hbm>>
      tpu.enqueue_dma source(%dma_start3A_87 : memref<392xi32, #tpu.memory_space<hbm>>) target(%dma_start3A_86 : memref<392xi32, #tpu.memory_space<vmem>>) target_semaphore(%run_scoped3A : memref<!tpu.dma_semaphore, #tpu.memory_space<semaphore_mem>>)
      %dma_wait3A_88 = arith.constant 0 : i32
      %dma_wait3A_89 = tpu.memref_slice %arg6[%dma_wait3A_88] : memref<400xi32, #tpu.memory_space<vmem>> -> memref<392xi32, #tpu.memory_space<vmem>>
      %dma_wait3A_90 = tpu.memref_slice %arg3[%mul3A_2] : memref<12544xi32, #tpu.memory_space<hbm>> -> memref<392xi32, #tpu.memory_space<hbm>>
      %dma_wait3A_91 = arith.constant 0 : i32
      %dma_wait3A_92 = tpu.memref_slice %arg6[%dma_wait3A_91] : memref<400xi32, #tpu.memory_space<vmem>> -> memref<392xi32, #tpu.memory_space<vmem>>
      %dma_wait3A_93 = tpu.memref_slice %arg3[%mul3A_2] : memref<12544xi32, #tpu.memory_space<hbm>> -> memref<392xi32, #tpu.memory_space<hbm>>
      tpu.wait_dma2 semaphore(%run_scoped3A : memref<!tpu.dma_semaphore, #tpu.memory_space<semaphore_mem>>) src(%dma_wait3A_93 : memref<392xi32, #tpu.memory_space<hbm>>) dst(%dma_wait3A_92 : memref<392xi32, #tpu.memory_space<vmem>>)
      tpu.yield
    }) : () -> ()
    %dma_start3A = arith.constant 0 : i32
    %dma_start3A_5 = arith.constant 0 : i32
    %dma_start3A_6 = tpu.memref_slice %arg7[%dma_start3A, %dma_start3A_5] : memref<400x128xf32, #tpu.memory_space<vmem>> -> memref<128x128xf32, #tpu.memory_space<vmem>>
    %dma_start3A_7 = arith.constant 0 : i32
    %dma_start3A_8 = tpu.memref_slice %arg6[%dma_start3A_7] : memref<400xi32, #tpu.memory_space<vmem>> -> memref<128xi32, #tpu.memory_space<vmem>>
    %dma_start3A_9 = arith.constant 0 : i32
    %dma_start3A_10 = arith.constant 0 : i32
    %dma_start3A_11 = tpu.memref_slice %arg2[%dma_start3A_9, %dma_start3A_10] : memref<8192x128xf32, #tpu.memory_space<hbm>> -> memref<8192x128xf32, #tpu.memory_space<hbm>>
    tpu.enqueue_indirect_dma source(%dma_start3A_11 : memref<8192x128xf32, #tpu.memory_space<hbm>>) target(%dma_start3A_6 : memref<128x128xf32, #tpu.memory_space<vmem>>) offsets(%dma_start3A_8 : memref<128xi32, #tpu.memory_space<vmem>>) semaphore(%arg9 : memref<!tpu.dma_semaphore, #tpu.memory_space<semaphore_mem>>)
    %dma_wait3A = arith.constant 0 : i32
    %dma_wait3A_12 = arith.constant 0 : i32
    %dma_wait3A_13 = tpu.memref_slice %arg7[%dma_wait3A, %dma_wait3A_12] : memref<400x128xf32, #tpu.memory_space<vmem>> -> memref<128x128xf32, #tpu.memory_space<vmem>>
    %dma_wait3A_14 = arith.constant 0 : i32
    %dma_wait3A_15 = tpu.memref_slice %arg6[%dma_wait3A_14] : memref<400xi32, #tpu.memory_space<vmem>> -> memref<128xi32, #tpu.memory_space<vmem>>
    %dma_wait3A_16 = arith.constant 0 : i32
    %dma_wait3A_17 = arith.constant 0 : i32
    %dma_wait3A_18 = tpu.memref_slice %arg2[%dma_wait3A_16, %dma_wait3A_17] : memref<8192x128xf32, #tpu.memory_space<hbm>> -> memref<8192x128xf32, #tpu.memory_space<hbm>>
    tpu.wait_indirect_dma semaphore(%arg9 : memref<!tpu.dma_semaphore, #tpu.memory_space<semaphore_mem>>) src(%dma_wait3A_18 : memref<8192x128xf32, #tpu.memory_space<hbm>>) dst(%dma_wait3A_13 : memref<128x128xf32, #tpu.memory_space<vmem>>)
    %dma_start3A_19 = arith.constant 128 : i32
    %dma_start3A_20 = arith.constant 0 : i32
    %dma_start3A_21 = tpu.memref_slice %arg7[%dma_start3A_19, %dma_start3A_20] : memref<400x128xf32, #tpu.memory_space<vmem>> -> memref<128x128xf32, #tpu.memory_space<vmem>>
    %dma_start3A_22 = arith.constant 128 : i32
    %dma_start3A_23 = tpu.memref_slice %arg6[%dma_start3A_22] : memref<400xi32, #tpu.memory_space<vmem>> -> memref<128xi32, #tpu.memory_space<vmem>>
    %dma_start3A_24 = arith.constant 0 : i32
    %dma_start3A_25 = arith.constant 0 : i32
    %dma_start3A_26 = tpu.memref_slice %arg2[%dma_start3A_24, %dma_start3A_25] : memref<8192x128xf32, #tpu.memory_space<hbm>> -> memref<8192x128xf32, #tpu.memory_space<hbm>>
    tpu.enqueue_indirect_dma source(%dma_start3A_26 : memref<8192x128xf32, #tpu.memory_space<hbm>>) target(%dma_start3A_21 : memref<128x128xf32, #tpu.memory_space<vmem>>) offsets(%dma_start3A_23 : memref<128xi32, #tpu.memory_space<vmem>>) semaphore(%arg9 : memref<!tpu.dma_semaphore, #tpu.memory_space<semaphore_mem>>)
    %dma_wait3A_27 = arith.constant 128 : i32
    %dma_wait3A_28 = arith.constant 0 : i32
    %dma_wait3A_29 = tpu.memref_slice %arg7[%dma_wait3A_27, %dma_wait3A_28] : memref<400x128xf32, #tpu.memory_space<vmem>> -> memref<128x128xf32, #tpu.memory_space<vmem>>
    %dma_wait3A_30 = arith.constant 128 : i32
    %dma_wait3A_31 = tpu.memref_slice %arg6[%dma_wait3A_30] : memref<400xi32, #tpu.memory_space<vmem>> -> memref<128xi32, #tpu.memory_space<vmem>>
    %dma_wait3A_32 = arith.constant 0 : i32
    %dma_wait3A_33 = arith.constant 0 : i32
    %dma_wait3A_34 = tpu.memref_slice %arg2[%dma_wait3A_32, %dma_wait3A_33] : memref<8192x128xf32, #tpu.memory_space<hbm>> -> memref<8192x128xf32, #tpu.memory_space<hbm>>
    tpu.wait_indirect_dma semaphore(%arg9 : memref<!tpu.dma_semaphore, #tpu.memory_space<semaphore_mem>>) src(%dma_wait3A_34 : memref<8192x128xf32, #tpu.memory_space<hbm>>) dst(%dma_wait3A_29 : memref<128x128xf32, #tpu.memory_space<vmem>>)
    %dma_start3A_35 = arith.constant 256 : i32
    %dma_start3A_36 = arith.constant 0 : i32
    %dma_start3A_37 = tpu.memref_slice %arg7[%dma_start3A_35, %dma_start3A_36] : memref<400x128xf32, #tpu.memory_space<vmem>> -> memref<128x128xf32, #tpu.memory_space<vmem>>
    %dma_start3A_38 = arith.constant 256 : i32
    %dma_start3A_39 = tpu.memref_slice %arg6[%dma_start3A_38] : memref<400xi32, #tpu.memory_space<vmem>> -> memref<128xi32, #tpu.memory_space<vmem>>
    %dma_start3A_40 = arith.constant 0 : i32
    %dma_start3A_41 = arith.constant 0 : i32
    %dma_start3A_42 = tpu.memref_slice %arg2[%dma_start3A_40, %dma_start3A_41] : memref<8192x128xf32, #tpu.memory_space<hbm>> -> memref<8192x128xf32, #tpu.memory_space<hbm>>
    tpu.enqueue_indirect_dma source(%dma_start3A_42 : memref<8192x128xf32, #tpu.memory_space<hbm>>) target(%dma_start3A_37 : memref<128x128xf32, #tpu.memory_space<vmem>>) offsets(%dma_start3A_39 : memref<128xi32, #tpu.memory_space<vmem>>) semaphore(%arg9 : memref<!tpu.dma_semaphore, #tpu.memory_space<semaphore_mem>>)
    %dma_wait3A_43 = arith.constant 256 : i32
    %dma_wait3A_44 = arith.constant 0 : i32
    %dma_wait3A_45 = tpu.memref_slice %arg7[%dma_wait3A_43, %dma_wait3A_44] : memref<400x128xf32, #tpu.memory_space<vmem>> -> memref<128x128xf32, #tpu.memory_space<vmem>>
    %dma_wait3A_46 = arith.constant 256 : i32
    %dma_wait3A_47 = tpu.memref_slice %arg6[%dma_wait3A_46] : memref<400xi32, #tpu.memory_space<vmem>> -> memref<128xi32, #tpu.memory_space<vmem>>
    %dma_wait3A_48 = arith.constant 0 : i32
    %dma_wait3A_49 = arith.constant 0 : i32
    %dma_wait3A_50 = tpu.memref_slice %arg2[%dma_wait3A_48, %dma_wait3A_49] : memref<8192x128xf32, #tpu.memory_space<hbm>> -> memref<8192x128xf32, #tpu.memory_space<hbm>>
    tpu.wait_indirect_dma semaphore(%arg9 : memref<!tpu.dma_semaphore, #tpu.memory_space<semaphore_mem>>) src(%dma_wait3A_50 : memref<8192x128xf32, #tpu.memory_space<hbm>>) dst(%dma_wait3A_45 : memref<128x128xf32, #tpu.memory_space<vmem>>)
    %dma_start3A_51 = arith.constant 384 : i32
    %dma_start3A_52 = arith.constant 0 : i32
    %dma_start3A_53 = tpu.memref_slice %arg7[%dma_start3A_51, %dma_start3A_52] : memref<400x128xf32, #tpu.memory_space<vmem>> -> memref<16x128xf32, #tpu.memory_space<vmem>>
    %dma_start3A_54 = arith.constant 384 : i32
    %dma_start3A_55 = tpu.memref_slice %arg6[%dma_start3A_54] : memref<400xi32, #tpu.memory_space<vmem>> -> memref<16xi32, #tpu.memory_space<vmem>>
    %dma_start3A_56 = arith.constant 0 : i32
    %dma_start3A_57 = arith.constant 0 : i32
    %dma_start3A_58 = tpu.memref_slice %arg2[%dma_start3A_56, %dma_start3A_57] : memref<8192x128xf32, #tpu.memory_space<hbm>> -> memref<8192x128xf32, #tpu.memory_space<hbm>>
    tpu.enqueue_indirect_dma source(%dma_start3A_58 : memref<8192x128xf32, #tpu.memory_space<hbm>>) target(%dma_start3A_53 : memref<16x128xf32, #tpu.memory_space<vmem>>) offsets(%dma_start3A_55 : memref<16xi32, #tpu.memory_space<vmem>>) semaphore(%arg9 : memref<!tpu.dma_semaphore, #tpu.memory_space<semaphore_mem>>)
    %dma_wait3A_59 = arith.constant 384 : i32
    %dma_wait3A_60 = arith.constant 0 : i32
    %dma_wait3A_61 = tpu.memref_slice %arg7[%dma_wait3A_59, %dma_wait3A_60] : memref<400x128xf32, #tpu.memory_space<vmem>> -> memref<16x128xf32, #tpu.memory_space<vmem>>
    %dma_wait3A_62 = arith.constant 384 : i32
    %dma_wait3A_63 = tpu.memref_slice %arg6[%dma_wait3A_62] : memref<400xi32, #tpu.memory_space<vmem>> -> memref<16xi32, #tpu.memory_space<vmem>>
    %dma_wait3A_64 = arith.constant 0 : i32
    %dma_wait3A_65 = arith.constant 0 : i32
    %dma_wait3A_66 = tpu.memref_slice %arg2[%dma_wait3A_64, %dma_wait3A_65] : memref<8192x128xf32, #tpu.memory_space<hbm>> -> memref<8192x128xf32, #tpu.memory_space<hbm>>
    tpu.wait_indirect_dma semaphore(%arg9 : memref<!tpu.dma_semaphore, #tpu.memory_space<semaphore_mem>>) src(%dma_wait3A_66 : memref<8192x128xf32, #tpu.memory_space<hbm>>) dst(%dma_wait3A_61 : memref<16x128xf32, #tpu.memory_space<vmem>>)
    "tpu.region"() ({
      %run_scoped3A = tpu.sem_alloc : memref<!tpu.dma_semaphore, #tpu.memory_space<semaphore_mem>>
      %dma_start3A_82 = arith.constant 0 : i32
      %dma_start3A_83 = arith.constant 0 : i32
      %dma_start3A_84 = tpu.memref_slice %arg7[%dma_start3A_82, %dma_start3A_83] : memref<400x128xf32, #tpu.memory_space<vmem>> -> memref<392x128xf32, #tpu.memory_space<vmem>>
      %dma_start3A_85 = arith.constant 0 : i32
      %dma_start3A_86 = tpu.memref_slice %arg4[%mul3A_2, %dma_start3A_85] : memref<12544x128xf32, #tpu.memory_space<hbm>> -> memref<392x128xf32, #tpu.memory_space<hbm>>
      %dma_start3A_87 = arith.constant 0 : i32
      %dma_start3A_88 = tpu.memref_slice %arg4[%mul3A_2, %dma_start3A_87] : memref<12544x128xf32, #tpu.memory_space<hbm>> -> memref<392x128xf32, #tpu.memory_space<hbm>>
      %dma_start3A_89 = arith.constant 0 : i32
      %dma_start3A_90 = arith.constant 0 : i32
      %dma_start3A_91 = tpu.memref_slice %arg7[%dma_start3A_89, %dma_start3A_90] : memref<400x128xf32, #tpu.memory_space<vmem>> -> memref<392x128xf32, #tpu.memory_space<vmem>>
      tpu.enqueue_dma source(%dma_start3A_91 : memref<392x128xf32, #tpu.memory_space<vmem>>) target(%dma_start3A_88 : memref<392x128xf32, #tpu.memory_space<hbm>>) target_semaphore(%run_scoped3A : memref<!tpu.dma_semaphore, #tpu.memory_space<semaphore_mem>>)
      %dma_wait3A_92 = arith.constant 0 : i32
      %dma_wait3A_93 = arith.constant 0 : i32
      %dma_wait3A_94 = tpu.memref_slice %arg7[%dma_wait3A_92, %dma_wait3A_93] : memref<400x128xf32, #tpu.memory_space<vmem>> -> memref<392x128xf32, #tpu.memory_space<vmem>>
      %dma_wait3A_95 = arith.constant 0 : i32
      %dma_wait3A_96 = tpu.memref_slice %arg4[%mul3A_2, %dma_wait3A_95] : memref<12544x128xf32, #tpu.memory_space<hbm>> -> memref<392x128xf32, #tpu.memory_space<hbm>>
      %dma_wait3A_97 = arith.constant 0 : i32
      %dma_wait3A_98 = tpu.memref_slice %arg4[%mul3A_2, %dma_wait3A_97] : memref<12544x128xf32, #tpu.memory_space<hbm>> -> memref<392x128xf32, #tpu.memory_space<hbm>>
      %dma_wait3A_99 = arith.constant 0 : i32
      %dma_wait3A_100 = arith.constant 0 : i32
      %dma_wait3A_101 = tpu.memref_slice %arg7[%dma_wait3A_99, %dma_wait3A_100] : memref<400x128xf32, #tpu.memory_space<vmem>> -> memref<392x128xf32, #tpu.memory_space<vmem>>
      tpu.wait_dma2 semaphore(%run_scoped3A : memref<!tpu.dma_semaphore, #tpu.memory_space<semaphore_mem>>) src(%dma_wait3A_101 : memref<392x128xf32, #tpu.memory_space<vmem>>) dst(%dma_wait3A_98 : memref<392x128xf32, #tpu.memory_space<hbm>>)
      tpu.yield
    }) : () -> ()
    %broadcast_in_dim3A_67 = arith.constant 0.000000e+00 : f32
    %broadcast_in_dim3A_68 = vector.broadcast %broadcast_in_dim3A_67 : f32 to vector<16xf32>
    %scan3A = arith.constant 0 : i32
    %scan3A_69 = arith.constant 0 : i32
    %scan3A_70 = arith.constant 512 : i32
    %scan3A_71 = arith.addi %scan3A_69, %scan3A_70 : i32
    %scan3A_72 = arith.constant 1 : i32
    scf.for %scan3A_82 = %scan3A_69 to %scan3A_71 step %scan3A_72  : i32 {
      %mul3A_83 = arith.constant 16 : i32
      %mul3A_84 = arith.muli %scan3A_82, %mul3A_83 : i32
      %swap3A_85 = arith.index_cast %mul3A_84 : i32 to index
      %swap3A_86 = tpu.vector_load %arg8[%swap3A_85] {strides = array<i32>} : memref<8192xf32, #tpu.memory_space<vmem>>, vector<16xf32>,
      tpu.vector_store %arg8[%swap3A_85], %broadcast_in_dim3A_68 {strides = array<i32>} : memref<8192xf32, #tpu.memory_space<vmem>>, vector<16xf32>,
    }
    %scan3A_73 = arith.constant 512 : i32
    %broadcast_in_dim3A_74 = arith.constant 1.000000e+00 : f32
    %broadcast_in_dim3A_75 = vector.broadcast %broadcast_in_dim3A_74 : f32 to vector<16xf32>
    %iota3A = tpu.iota {dimensions = array<i32: 0>} : vector<16xi32>
    %scan3A_76 = arith.constant 0 : i32
    %scan3A_77 = arith.constant 0 : i32
    %scan3A_78 = arith.constant 25 : i32
    %scan3A_79 = arith.addi %scan3A_77, %scan3A_78 : i32
    %scan3A_80 = arith.constant 1 : i32
    scf.for %scan3A_82 = %scan3A_77 to %scan3A_79 step %scan3A_80  : i32 {
      %mul3A_83 = arith.constant 16 : i32
      %mul3A_84 = arith.muli %scan3A_82, %mul3A_83 : i32
      %get3A = arith.index_cast %mul3A_84 : i32 to index
      %get3A_85 = tpu.vector_load %arg6[%get3A] {strides = array<i32>} : memref<400xi32, #tpu.memory_space<vmem>>, vector<16xi32>,
      %mul3A_86 = arith.constant 16 : i32
      %mul3A_87 = arith.muli %scan3A_82, %mul3A_86 : i32
      %add3A_88 = vector.broadcast %mul3A_87 : i32 to vector<16xi32>
      %add3A_89 = arith.addi %add3A_88, %iota3A : vector<16xi32>
      %lt3A = arith.constant 392 : i32
      %lt3A_90 = vector.broadcast %lt3A : i32 to vector<16xi32>
      %lt3A_91 = arith.cmpi slt, %add3A_89, %lt3A_90 : vector<16xi32>
      tpu.vector_store_idx %arg8[%get3A_85], %broadcast_in_dim3A_75 masked %lt3A_91 {add = true} : memref<8192xf32, #tpu.memory_space<vmem>>[vector<16xi32>], vector<16xf32>, vector<16xi1>
    }
    %scan3A_81 = arith.constant 25 : i32
    "tpu.region"() ({
      %run_scoped3A = tpu.sem_alloc : memref<!tpu.dma_semaphore, #tpu.memory_space<semaphore_mem>>
      %dma_start3A_82 = arith.constant 0 : i32
      %dma_start3A_83 = tpu.memref_slice %arg5[%add3A, %dma_start3A_82] : memref<32x8192xf32, #tpu.memory_space<hbm>> -> memref<1x8192xf32, #tpu.memory_space<hbm>>
      %dma_start3A_84 = tpu.memref_squeeze %dma_start3A_83 : memref<1x8192xf32, #tpu.memory_space<hbm>> -> memref<8192xf32, #tpu.memory_space<hbm>>
      %dma_start3A_85 = arith.constant 0 : i32
      %dma_start3A_86 = tpu.memref_slice %arg5[%add3A, %dma_start3A_85] : memref<32x8192xf32, #tpu.memory_space<hbm>> -> memref<1x8192xf32, #tpu.memory_space<hbm>>
      %dma_start3A_87 = tpu.memref_squeeze %dma_start3A_86 : memref<1x8192xf32, #tpu.memory_space<hbm>> -> memref<8192xf32, #tpu.memory_space<hbm>>
      tpu.enqueue_dma source(%arg8 : memref<8192xf32, #tpu.memory_space<vmem>>) target(%dma_start3A_87 : memref<8192xf32, #tpu.memory_space<hbm>>) target_semaphore(%run_scoped3A : memref<!tpu.dma_semaphore, #tpu.memory_space<semaphore_mem>>)
      %dma_wait3A_88 = arith.constant 0 : i32
      %dma_wait3A_89 = tpu.memref_slice %arg5[%add3A, %dma_wait3A_88] : memref<32x8192xf32, #tpu.memory_space<hbm>> -> memref<1x8192xf32, #tpu.memory_space<hbm>>
      %dma_wait3A_90 = tpu.memref_squeeze %dma_wait3A_89 : memref<1x8192xf32, #tpu.memory_space<hbm>> -> memref<8192xf32, #tpu.memory_space<hbm>>
      %dma_wait3A_91 = arith.constant 0 : i32
      %dma_wait3A_92 = tpu.memref_slice %arg5[%add3A, %dma_wait3A_91] : memref<32x8192xf32, #tpu.memory_space<hbm>> -> memref<1x8192xf32, #tpu.memory_space<hbm>>
      %dma_wait3A_93 = tpu.memref_squeeze %dma_wait3A_92 : memref<1x8192xf32, #tpu.memory_space<hbm>> -> memref<8192xf32, #tpu.memory_space<hbm>>
      tpu.wait_dma2 semaphore(%run_scoped3A : memref<!tpu.dma_semaphore, #tpu.memory_space<semaphore_mem>>) src(%arg8 : memref<8192xf32, #tpu.memory_space<vmem>>) dst(%dma_wait3A_93 : memref<8192xf32, #tpu.memory_space<hbm>>)
      tpu.yield
    }) : () -> ()
    return
  }
}

module attributes {stable_mosaic.version = 14 : i64} {
  func.func @_cbn_body(%arg0: memref<8192x32xf32, #tpu.memory_space<vmem>>, %arg1: memref<8192x32xf32, #tpu.memory_space<vmem>>) attributes {dimension_semantics = [], scalar_prefetch = 0 : i64, scratch_operands = 0 : i64, tpu.core_type = #tpu.core_type<tc>} {
    %get3A = arith.constant 0 : index
    %get3A_0 = arith.constant 0 : index
    %get3A_1 = vector.load %arg0[%get3A, %get3A_0] : memref<8192x32xf32, #tpu.memory_space<vmem>>, vector<8192x32xf32>
    %mul3A = arith.mulf %get3A_1, %get3A_1 : vector<8192x32xf32>
    %slice3A = vector.extract_strided_slice %mul3A {offsets = [0, 0], sizes = [8192, 8], strides = [1, 1]} : vector<8192x32xf32> to vector<8192x8xf32>
    %slice3A_2 = vector.extract_strided_slice %mul3A {offsets = [0, 8], sizes = [8192, 8], strides = [1, 1]} : vector<8192x32xf32> to vector<8192x8xf32>
    %add3A = arith.addf %slice3A, %slice3A_2 : vector<8192x8xf32>
    %slice3A_3 = vector.extract_strided_slice %mul3A {offsets = [0, 16], sizes = [8192, 8], strides = [1, 1]} : vector<8192x32xf32> to vector<8192x8xf32>
    %add3A_4 = arith.addf %add3A, %slice3A_3 : vector<8192x8xf32>
    %slice3A_5 = vector.extract_strided_slice %mul3A {offsets = [0, 24], sizes = [8192, 8], strides = [1, 1]} : vector<8192x32xf32> to vector<8192x8xf32>
    %add3A_6 = arith.addf %add3A_4, %slice3A_5 : vector<8192x8xf32>
    %slice3A_7 = vector.extract_strided_slice %add3A_6 {offsets = [0, 0], sizes = [8192, 4], strides = [1, 1]} : vector<8192x8xf32> to vector<8192x4xf32>
    %slice3A_8 = vector.extract_strided_slice %add3A_6 {offsets = [0, 4], sizes = [8192, 4], strides = [1, 1]} : vector<8192x8xf32> to vector<8192x4xf32>
    %add3A_9 = arith.addf %slice3A_7, %slice3A_8 : vector<8192x4xf32>
    %slice3A_10 = vector.extract_strided_slice %add3A_9 {offsets = [0, 0], sizes = [8192, 2], strides = [1, 1]} : vector<8192x4xf32> to vector<8192x2xf32>
    %slice3A_11 = vector.extract_strided_slice %add3A_9 {offsets = [0, 2], sizes = [8192, 2], strides = [1, 1]} : vector<8192x4xf32> to vector<8192x2xf32>
    %add3A_12 = arith.addf %slice3A_10, %slice3A_11 : vector<8192x2xf32>
    %slice3A_13 = vector.extract_strided_slice %add3A_12 {offsets = [0, 0], sizes = [8192, 1], strides = [1, 1]} : vector<8192x2xf32> to vector<8192x1xf32>
    %slice3A_14 = vector.extract_strided_slice %add3A_12 {offsets = [0, 1], sizes = [8192, 1], strides = [1, 1]} : vector<8192x2xf32> to vector<8192x1xf32>
    %add3A_15 = arith.addf %slice3A_13, %slice3A_14 : vector<8192x1xf32>
    %sqrt3A = math.sqrt %add3A_15 : vector<8192x1xf32>
    %add3A_16 = arith.constant 9.99999996E-13 : f32
    %add3A_17 = vector.broadcast %add3A_16 : f32 to vector<8192x1xf32>
    %add3A_18 = arith.addf %sqrt3A, %add3A_17 : vector<8192x1xf32>
    %div3A = vector.broadcast %add3A_18 : vector<8192x1xf32> to vector<8192x32xf32>
    %div3A_19 = arith.divf %get3A_1, %div3A : vector<8192x32xf32>
    %swap3A = arith.constant 0 : index
    %swap3A_20 = arith.constant 0 : index
    %swap3A_21 = vector.load %arg1[%swap3A, %swap3A_20] : memref<8192x32xf32, #tpu.memory_space<vmem>>, vector<8192x32xf32>
    tpu.vector_store %arg1[%swap3A, %swap3A_20], %div3A_19 {strides = array<i32>} : memref<8192x32xf32, #tpu.memory_space<vmem>>, vector<8192x32xf32>,
    return
  }
}

module attributes {stable_mosaic.version = 14 : i64} {
  func.func @_latn_body(%arg0: i32, %arg1: memref<1792x32xf32, #tpu.memory_space<vmem>>, %arg2: memref<1792x32xf32, #tpu.memory_space<vmem>>) attributes {dimension_semantics = [#tpu.dimension_semantics<arbitrary>], iteration_bounds = array<i64: 7>, scalar_prefetch = 0 : i64, scratch_operands = 0 : i64, tpu.core_type = #tpu.core_type<tc>, window_params = [{transform_indices = @transform_0, window_bounds = array<i64: 1792, 32>}, {transform_indices = @transform_1, window_bounds = array<i64: 1792, 32>}]} {
    %get3A = arith.constant 0 : index
    %get3A_0 = arith.constant 0 : index
    %get3A_1 = vector.load %arg1[%get3A, %get3A_0] : memref<1792x32xf32, #tpu.memory_space<vmem>>, vector<1792x32xf32>
    %mul3A = arith.mulf %get3A_1, %get3A_1 : vector<1792x32xf32>
    %slice3A = vector.extract_strided_slice %mul3A {offsets = [0, 0], sizes = [1792, 8], strides = [1, 1]} : vector<1792x32xf32> to vector<1792x8xf32>
    %slice3A_2 = vector.extract_strided_slice %mul3A {offsets = [0, 8], sizes = [1792, 8], strides = [1, 1]} : vector<1792x32xf32> to vector<1792x8xf32>
    %add3A = arith.addf %slice3A, %slice3A_2 : vector<1792x8xf32>
    %slice3A_3 = vector.extract_strided_slice %mul3A {offsets = [0, 16], sizes = [1792, 8], strides = [1, 1]} : vector<1792x32xf32> to vector<1792x8xf32>
    %add3A_4 = arith.addf %add3A, %slice3A_3 : vector<1792x8xf32>
    %slice3A_5 = vector.extract_strided_slice %mul3A {offsets = [0, 24], sizes = [1792, 8], strides = [1, 1]} : vector<1792x32xf32> to vector<1792x8xf32>
    %add3A_6 = arith.addf %add3A_4, %slice3A_5 : vector<1792x8xf32>
    %slice3A_7 = vector.extract_strided_slice %add3A_6 {offsets = [0, 0], sizes = [1792, 4], strides = [1, 1]} : vector<1792x8xf32> to vector<1792x4xf32>
    %slice3A_8 = vector.extract_strided_slice %add3A_6 {offsets = [0, 4], sizes = [1792, 4], strides = [1, 1]} : vector<1792x8xf32> to vector<1792x4xf32>
    %add3A_9 = arith.addf %slice3A_7, %slice3A_8 : vector<1792x4xf32>
    %slice3A_10 = vector.extract_strided_slice %add3A_9 {offsets = [0, 0], sizes = [1792, 2], strides = [1, 1]} : vector<1792x4xf32> to vector<1792x2xf32>
    %slice3A_11 = vector.extract_strided_slice %add3A_9 {offsets = [0, 2], sizes = [1792, 2], strides = [1, 1]} : vector<1792x4xf32> to vector<1792x2xf32>
    %add3A_12 = arith.addf %slice3A_10, %slice3A_11 : vector<1792x2xf32>
    %slice3A_13 = vector.extract_strided_slice %add3A_12 {offsets = [0, 0], sizes = [1792, 1], strides = [1, 1]} : vector<1792x2xf32> to vector<1792x1xf32>
    %slice3A_14 = vector.extract_strided_slice %add3A_12 {offsets = [0, 1], sizes = [1792, 1], strides = [1, 1]} : vector<1792x2xf32> to vector<1792x1xf32>
    %add3A_15 = arith.addf %slice3A_13, %slice3A_14 : vector<1792x1xf32>
    %sqrt3A = math.sqrt %add3A_15 : vector<1792x1xf32>
    %add3A_16 = arith.constant 9.99999996E-13 : f32
    %add3A_17 = vector.broadcast %add3A_16 : f32 to vector<1792x1xf32>
    %add3A_18 = arith.addf %sqrt3A, %add3A_17 : vector<1792x1xf32>
    %div3A = vector.broadcast %add3A_18 : vector<1792x1xf32> to vector<1792x32xf32>
    %div3A_19 = arith.divf %get3A_1, %div3A : vector<1792x32xf32>
    %swap3A = arith.constant 0 : index
    %swap3A_20 = arith.constant 0 : index
    %swap3A_21 = vector.load %arg2[%swap3A, %swap3A_20] : memref<1792x32xf32, #tpu.memory_space<vmem>>, vector<1792x32xf32>
    tpu.vector_store %arg2[%swap3A, %swap3A_20], %div3A_19 {strides = array<i32>} : memref<1792x32xf32, #tpu.memory_space<vmem>>, vector<1792x32xf32>,
    return
  }
  func.func @transform_0(%arg0: i32) -> (i32, i32) {
    %c0_i32 = arith.constant 0 : i32
    %c0_i32_0 = arith.constant 0 : i32
    return %arg0, %c0_i32 : i32, i32
  }
  func.func @transform_1(%arg0: i32) -> (i32, i32) {
    %c0_i32 = arith.constant 0 : i32
    %c0_i32_0 = arith.constant 0 : i32
    return %arg0, %c0_i32 : i32, i32
  }
}

module attributes {stable_mosaic.version = 14 : i64} {
  func.func @_argmax_body(%arg0: i32, %arg1: memref<1792x32xf32, #tpu.memory_space<vmem>>, %arg2: memref<8192x32xf32, #tpu.memory_space<vmem>>, %arg3: memref<1x1x1792xi32, #tpu.memory_space<vmem>>) attributes {dimension_semantics = [#tpu.dimension_semantics<arbitrary>], iteration_bounds = array<i64: 7>, scalar_prefetch = 0 : i64, scratch_operands = 0 : i64, tpu.core_type = #tpu.core_type<tc>, window_params = [{transform_indices = @transform_0, window_bounds = array<i64: 1792, 32>}, {pipeline_mode = #tpu.pipeline_mode<synchronous>, transform_indices = @transform_1, window_bounds = array<i64: 8192, 32>}, {transform_indices = @transform_2, window_bounds = array<i64: 1, 1, 1792>}]} {
    %get3A = arith.constant 0 : index
    %get3A_0 = arith.constant 0 : index
    %get3A_1 = vector.load %arg1[%get3A, %get3A_0] : memref<1792x32xf32, #tpu.memory_space<vmem>>, vector<1792x32xf32>
    %broadcast_in_dim3A = arith.constant 0xFF800000 : f32
    %broadcast_in_dim3A_2 = vector.broadcast %broadcast_in_dim3A : f32 to vector<1792xf32>
    %broadcast_in_dim3A_3 = arith.constant 0 : i32
    %broadcast_in_dim3A_4 = vector.broadcast %broadcast_in_dim3A_3 : i32 to vector<1792xi32>
    %scan3A = arith.constant 0 : i32
    %scan3A_5 = arith.constant 4 : i32
    %scan3A_6 = arith.addi %scan3A, %scan3A_5 : i32
    %scan3A_7 = arith.constant 1 : i32
    %scan3A_8:2 = scf.for %scan3A_13 = %scan3A to %scan3A_6 step %scan3A_7 iter_args(%scan3A_14 = %broadcast_in_dim3A_2, %scan3A_15 = %broadcast_in_dim3A_4) -> (vector<1792xf32>, vector<1792xi32>)  : i32 {
      %mul3A = arith.constant 2048 : i32
      %mul3A_16 = arith.muli %scan3A_13, %mul3A : i32
      %get3A_17 = arith.index_cast %mul3A_16 : i32 to index
      %get3A_18 = arith.constant 0 : index
      %get3A_19 = vector.load %arg2[%get3A_17, %get3A_18] : memref<8192x32xf32, #tpu.memory_space<vmem>>, vector<2048x32xf32>
      %convert_element_type3A = arith.truncf %get3A_1 : vector<1792x32xf32> to vector<1792x32xbf16>
      %convert_element_type3A_20 = arith.truncf %get3A_19 : vector<2048x32xf32> to vector<2048x32xbf16>
      %dot_general3A = arith.constant dense<0.000000e+00> : vector<1792x2048xf32>
      %dot_general3A_21 = tpu.matmul %convert_element_type3A, %convert_element_type3A_20, %dot_general3A {dimension_numbers = #tpu.dot_dimension_numbers<[1], [1], [0], [0], [0, 0, 1, 0], [], []>, transpose_lhs_hint = false} : vector<1792x32xbf16>, vector<2048x32xbf16>, vector<1792x2048xf32> -> vector<1792x2048xf32>
      %reduce_max3A = arith.constant dense<0xFF800000> : vector<1792xf32>
      %reduce_max3A_22 = vector.multi_reduction <maximumf>, %dot_general3A_21, %reduce_max3A [1] : vector<1792x2048xf32> to vector<1792xf32>
      %iota3A = tpu.iota {dimensions = array<i32: 1>} : vector<1792x2048xi32>
      %broadcast_in_dim3A_23 = vector.shape_cast %reduce_max3A_22 : vector<1792xf32> to vector<1792x1xf32>
      %eq3A = vector.broadcast %broadcast_in_dim3A_23 : vector<1792x1xf32> to vector<1792x2048xf32>
      %eq3A_24 = arith.cmpf oeq, %dot_general3A_21, %eq3A : vector<1792x2048xf32>
      %jit3A = arith.constant 8192 : i32
      %broadcast_in_dim3A_25 = vector.broadcast %jit3A : i32 to vector<1792x2048xi32>
      %select_n3A = arith.select %eq3A_24, %iota3A, %broadcast_in_dim3A_25 : vector<1792x2048xi1>, vector<1792x2048xi32>
      %reduce_min3A = arith.constant dense<2147483647> : vector<1792xi32>
      %reduce_min3A_26 = vector.multi_reduction <minsi>, %select_n3A, %reduce_min3A [1] : vector<1792x2048xi32> to vector<1792xi32>
      %mul3A_27 = arith.constant 2048 : i32
      %mul3A_28 = arith.muli %scan3A_13, %mul3A_27 : i32
      %add3A = vector.broadcast %mul3A_28 : i32 to vector<1792xi32>
      %add3A_29 = arith.addi %reduce_min3A_26, %add3A : vector<1792xi32>
      %gt3A = arith.cmpf ogt, %reduce_max3A_22, %scan3A_14 : vector<1792xf32>
      %select_n3A_30 = arith.select %gt3A, %reduce_max3A_22, %scan3A_14 : vector<1792xi1>, vector<1792xf32>
      %select_n3A_31 = arith.select %gt3A, %add3A_29, %scan3A_15 : vector<1792xi1>, vector<1792xi32>
      scf.yield %select_n3A_30, %select_n3A_31 : vector<1792xf32>, vector<1792xi32>
    }
    %scan3A_9 = arith.constant 4 : i32
    %reshape3A = vector.shape_cast %scan3A_8#1 : vector<1792xi32> to vector<1x1x1792xi32>
    %swap3A = arith.constant 0 : index
    %swap3A_10 = arith.constant 0 : index
    %swap3A_11 = arith.constant 0 : index
    %swap3A_12 = vector.load %arg3[%swap3A, %swap3A_10, %swap3A_11] : memref<1x1x1792xi32, #tpu.memory_space<vmem>>, vector<1x1x1792xi32>
    tpu.vector_store %arg3[%swap3A, %swap3A_10, %swap3A_11], %reshape3A {strides = array<i32>} : memref<1x1x1792xi32, #tpu.memory_space<vmem>>, vector<1x1x1792xi32>,
    return
  }
  func.func @transform_0(%arg0: i32) -> (i32, i32) {
    %c0_i32 = arith.constant 0 : i32
    %c0_i32_0 = arith.constant 0 : i32
    return %arg0, %c0_i32 : i32, i32
  }
  func.func @transform_1(%arg0: i32) -> (i32, i32) {
    %c0_i32 = arith.constant 0 : i32
    %c0_i32_0 = arith.constant 0 : i32
    %c0_i32_1 = arith.constant 0 : i32
    return %c0_i32, %c0_i32_0 : i32, i32
  }
  func.func @transform_2(%arg0: i32) -> (i32, i32, i32) {
    %c0_i32 = arith.constant 0 : i32
    %c0_i32_0 = arith.constant 0 : i32
    %c0_i32_1 = arith.constant 0 : i32
    return %arg0, %c0_i32, %c0_i32_0 : i32, i32, i32
  }
}

module attributes {stable_mosaic.version = 14 : i64} {
  func.func @_post_body(%arg0: memref<12544x128xf32, #tpu.memory_space<vmem>>, %arg1: memref<12544x32xf32, #tpu.memory_space<vmem>>, %arg2: memref<8192x32xf32, #tpu.memory_space<vmem>>, %arg3: memref<128x32xf32, #tpu.memory_space<vmem>>, %arg4: memref<1x128xf32, #tpu.memory_space<vmem>>, %arg5: memref<32x8192xf32, #tpu.memory_space<vmem>>, %arg6: memref<12544x128xf32, #tpu.memory_space<vmem>>, %arg7: memref<1x128xf32, #tpu.memory_space<vmem>>) attributes {dimension_semantics = [], scalar_prefetch = 0 : i64, scratch_operands = 0 : i64, tpu.core_type = #tpu.core_type<tc>} {
    %get3A = arith.constant 0 : index
    %get3A_0 = arith.constant 0 : index
    %get3A_1 = vector.load %arg0[%get3A, %get3A_0] : memref<12544x128xf32, #tpu.memory_space<vmem>>, vector<12544x128xf32>
    %slice3A = vector.extract_strided_slice %get3A_1 {offsets = [0, 0], sizes = [12544, 32], strides = [1, 1]} : vector<12544x128xf32> to vector<12544x32xf32>
    %convert_element_type3A = arith.truncf %slice3A : vector<12544x32xf32> to vector<12544x32xbf16>
    %get3A_2 = arith.constant 0 : index
    %get3A_3 = arith.constant 0 : index
    %get3A_4 = vector.load %arg3[%get3A_2, %get3A_3] : memref<128x32xf32, #tpu.memory_space<vmem>>, vector<128x32xf32>
    %convert_element_type3A_5 = arith.truncf %get3A_4 : vector<128x32xf32> to vector<128x32xbf16>
    %dot_general3A = arith.constant dense<0.000000e+00> : vector<12544x128xf32>
    %dot_general3A_6 = tpu.matmul %convert_element_type3A, %convert_element_type3A_5, %dot_general3A {dimension_numbers = #tpu.dot_dimension_numbers<[1], [1], [0], [0], [0, 0, 1, 0], [], []>, transpose_lhs_hint = false} : vector<12544x32xbf16>, vector<128x32xbf16>, vector<12544x128xf32> -> vector<12544x128xf32>
    %get3A_7 = arith.constant 0 : index
    %get3A_8 = arith.constant 0 : index
    %get3A_9 = vector.load %arg4[%get3A_7, %get3A_8] : memref<1x128xf32, #tpu.memory_space<vmem>>, vector<1x128xf32>
    %add3A = vector.broadcast %get3A_9 : vector<1x128xf32> to vector<12544x128xf32>
    %add3A_10 = arith.addf %dot_general3A_6, %add3A : vector<12544x128xf32>
    %swap3A = arith.constant 0 : index
    %swap3A_11 = arith.constant 0 : index
    %swap3A_12 = vector.load %arg6[%swap3A, %swap3A_11] : memref<12544x128xf32, #tpu.memory_space<vmem>>, vector<12544x128xf32>
    tpu.vector_store %arg6[%swap3A, %swap3A_11], %add3A_10 {strides = array<i32>} : memref<12544x128xf32, #tpu.memory_space<vmem>>, vector<12544x128xf32>,
    %get3A_13 = arith.constant 0 : index
    %get3A_14 = arith.constant 0 : index
    %get3A_15 = vector.load %arg1[%get3A_13, %get3A_14] : memref<12544x32xf32, #tpu.memory_space<vmem>>, vector<12544x32xf32>
    %sub3A = arith.subf %slice3A, %get3A_15 : vector<12544x32xf32>
    %mul3A = arith.mulf %sub3A, %sub3A : vector<12544x32xf32>
    %reduce_sum3A = vector.shape_cast %mul3A : vector<12544x32xf32> to vector<1x12544x32xf32>
    %reduce_sum3A_16 = arith.constant dense<0.000000e+00> : vector<1xf32>
    %reduce_sum3A_17 = vector.multi_reduction <add>, %reduce_sum3A, %reduce_sum3A_16 [1, 2] : vector<1x12544x32xf32> to vector<1xf32>
    %reduce_sum3A_18 = vector.shape_cast %reduce_sum3A_17 : vector<1xf32> to vector<1x1x1xf32>
    %reduce_sum3A_19 = vector.extract %reduce_sum3A_18[0, 0, 0] : f32 from vector<1x1x1xf32>
    %div3A = arith.constant 4.014080e+05 : f32
    %div3A_20 = arith.divf %reduce_sum3A_19, %div3A : f32
    %get3A_21 = arith.constant 0 : index
    %get3A_22 = arith.constant 0 : index
    %get3A_23 = vector.load %arg2[%get3A_21, %get3A_22] : memref<8192x32xf32, #tpu.memory_space<vmem>>, vector<8192x32xf32>
    %dot_general3A_24 = arith.constant dense<0.000000e+00> : vector<32x32xf32>
    %dot_general3A_25 = tpu.matmul %get3A_23, %get3A_23, %dot_general3A_24 {dimension_numbers = #tpu.dot_dimension_numbers<[0], [0], [1], [1], [0, 1, 1, 1], [], []>, precision = #tpu.contract_precision<fp32>, transpose_lhs_hint = false} : vector<8192x32xf32>, vector<8192x32xf32>, vector<32x32xf32> -> vector<32x32xf32>
    %mul3A_26 = arith.mulf %dot_general3A_25, %dot_general3A_25 : vector<32x32xf32>
    %reduce_sum3A_27 = vector.shape_cast %mul3A_26 : vector<32x32xf32> to vector<1x32x32xf32>
    %reduce_sum3A_28 = arith.constant dense<0.000000e+00> : vector<1xf32>
    %reduce_sum3A_29 = vector.multi_reduction <add>, %reduce_sum3A_27, %reduce_sum3A_28 [1, 2] : vector<1x32x32xf32> to vector<1xf32>
    %reduce_sum3A_30 = vector.shape_cast %reduce_sum3A_29 : vector<1xf32> to vector<1x1x1xf32>
    %reduce_sum3A_31 = vector.extract %reduce_sum3A_30[0, 0, 0] : f32 from vector<1x1x1xf32>
    %sub3A_32 = arith.constant 8.192000e+03 : f32
    %sub3A_33 = arith.subf %reduce_sum3A_31, %sub3A_32 : f32
    %div3A_34 = arith.constant 0x4C7FF800 : f32
    %div3A_35 = arith.divf %sub3A_33, %div3A_34 : f32
    %get3A_36 = arith.constant 0 : index
    %get3A_37 = arith.constant 0 : index
    %get3A_38 = vector.load %arg5[%get3A_36, %get3A_37] : memref<32x8192xf32, #tpu.memory_space<vmem>>, vector<32x8192xf32>
    %reduce_sum3A_39 = arith.constant dense<0.000000e+00> : vector<8192xf32>
    %reduce_sum3A_40 = vector.multi_reduction <add>, %get3A_38, %reduce_sum3A_39 [0] : vector<32x8192xf32> to vector<8192xf32>
    %div3A_41 = arith.constant 1.254400e+04 : f32
    %div3A_42 = vector.broadcast %div3A_41 : f32 to vector<8192xf32>
    %div3A_43 = arith.divf %reduce_sum3A_40, %div3A_42 : vector<8192xf32>
    %add3A_44 = arith.constant 1.000000e-10 : f32
    %add3A_45 = vector.broadcast %add3A_44 : f32 to vector<8192xf32>
    %add3A_46 = arith.addf %div3A_43, %add3A_45 : vector<8192xf32>
    %log3A = math.log %add3A_46 : vector<8192xf32>
    %mul3A_47 = arith.mulf %div3A_43, %log3A : vector<8192xf32>
    %reduce_sum3A_48 = vector.shape_cast %mul3A_47 : vector<8192xf32> to vector<1x8192xf32>
    %reduce_sum3A_49 = arith.constant dense<0.000000e+00> : vector<1xf32>
    %reduce_sum3A_50 = vector.multi_reduction <add>, %reduce_sum3A_48, %reduce_sum3A_49 [1] : vector<1x8192xf32> to vector<1xf32>
    %reduce_sum3A_51 = vector.shape_cast %reduce_sum3A_50 : vector<1xf32> to vector<1x1xf32>
    %reduce_sum3A_52 = vector.extract %reduce_sum3A_51[0, 0] : f32 from vector<1x1xf32>
    %neg3A = arith.constant 0.000000e+00 : f32
    %neg3A_53 = arith.subf %neg3A, %reduce_sum3A_52 : f32
    %exp3A = math.exp %neg3A_53 : f32
    %iota3A = tpu.iota {dimensions = array<i32: 1>} : vector<1x128xi32>
    %eq3A = arith.constant 0 : i32
    %eq3A_54 = vector.broadcast %eq3A : i32 to vector<1x128xi32>
    %eq3A_55 = arith.cmpi eq, %iota3A, %eq3A_54 : vector<1x128xi32>
    %eq3A_56 = arith.constant 1 : i32
    %eq3A_57 = vector.broadcast %eq3A_56 : i32 to vector<1x128xi32>
    %eq3A_58 = arith.cmpi eq, %iota3A, %eq3A_57 : vector<1x128xi32>
    %eq3A_59 = arith.constant 2 : i32
    %eq3A_60 = vector.broadcast %eq3A_59 : i32 to vector<1x128xi32>
    %eq3A_61 = arith.cmpi eq, %iota3A, %eq3A_60 : vector<1x128xi32>
    %jit3A = arith.constant 0.000000e+00 : f32
    %broadcast_in_dim3A = vector.broadcast %exp3A : f32 to vector<1x128xf32>
    %broadcast_in_dim3A_62 = vector.broadcast %jit3A : f32 to vector<1x128xf32>
    %select_n3A = arith.select %eq3A_61, %broadcast_in_dim3A, %broadcast_in_dim3A_62 : vector<1x128xi1>, vector<1x128xf32>
    %broadcast_in_dim3A_63 = vector.broadcast %div3A_35 : f32 to vector<1x128xf32>
    %select_n3A_64 = arith.select %eq3A_58, %broadcast_in_dim3A_63, %select_n3A : vector<1x128xi1>, vector<1x128xf32>
    %broadcast_in_dim3A_65 = vector.broadcast %div3A_20 : f32 to vector<1x128xf32>
    %select_n3A_66 = arith.select %eq3A_55, %broadcast_in_dim3A_65, %select_n3A_64 : vector<1x128xi1>, vector<1x128xf32>
    %swap3A_67 = arith.constant 0 : index
    %swap3A_68 = arith.constant 0 : index
    %swap3A_69 = vector.load %arg7[%swap3A_67, %swap3A_68] : memref<1x128xf32, #tpu.memory_space<vmem>>, vector<1x128xf32>
    tpu.vector_store %arg7[%swap3A_67, %swap3A_68], %select_n3A_66 {strides = array<i32>} : memref<1x128xf32, #tpu.memory_space<vmem>>, vector<1x128xf32>,
    return
  }
}

module attributes {stable_mosaic.version = 14 : i64} {
  func.func @_recon_body(%arg0: memref<4704x128xf32, #tpu.memory_space<vmem>>, %arg1: memref<4704x128xf32, #tpu.memory_space<vmem>>, %arg2: memref<1x128xf32, #tpu.memory_space<vmem>>) attributes {dimension_semantics = [], scalar_prefetch = 0 : i64, scratch_operands = 0 : i64, tpu.core_type = #tpu.core_type<tc>} {
    %get3A = arith.constant 0 : index
    %get3A_0 = arith.constant 0 : index
    %get3A_1 = vector.load %arg0[%get3A, %get3A_0] : memref<4704x128xf32, #tpu.memory_space<vmem>>, vector<4704x128xf32>
    %get3A_2 = arith.constant 0 : index
    %get3A_3 = arith.constant 0 : index
    %get3A_4 = vector.load %arg1[%get3A_2, %get3A_3] : memref<4704x128xf32, #tpu.memory_space<vmem>>, vector<4704x128xf32>
    %sub3A = arith.subf %get3A_1, %get3A_4 : vector<4704x128xf32>
    %mul3A = arith.mulf %sub3A, %sub3A : vector<4704x128xf32>
    %reduce_sum3A = vector.shape_cast %mul3A : vector<4704x128xf32> to vector<1x4704x128xf32>
    %reduce_sum3A_5 = arith.constant dense<0.000000e+00> : vector<1xf32>
    %reduce_sum3A_6 = vector.multi_reduction <add>, %reduce_sum3A, %reduce_sum3A_5 [1, 2] : vector<1x4704x128xf32> to vector<1xf32>
    %reduce_sum3A_7 = vector.shape_cast %reduce_sum3A_6 : vector<1xf32> to vector<1x1x1xf32>
    %reduce_sum3A_8 = vector.extract %reduce_sum3A_7[0, 0, 0] : f32 from vector<1x1x1xf32>
    %div3A = arith.constant 6.021120e+05 : f32
    %div3A_9 = arith.divf %reduce_sum3A_8, %div3A : f32
    %broadcast_in_dim3A = arith.constant 1.000000e+00 : f32
    %broadcast_in_dim3A_10 = vector.broadcast %broadcast_in_dim3A : f32 to vector<1x128xf32>
    %mul3A_11 = vector.broadcast %div3A_9 : f32 to vector<1x128xf32>
    %mul3A_12 = arith.mulf %mul3A_11, %broadcast_in_dim3A_10 : vector<1x128xf32>
    %swap3A = arith.constant 0 : index
    %swap3A_13 = arith.constant 0 : index
    %swap3A_14 = vector.load %arg2[%swap3A, %swap3A_13] : memref<1x128xf32, #tpu.memory_space<vmem>>, vector<1x128xf32>
    tpu.vector_store %arg2[%swap3A, %swap3A_13], %mul3A_12 {strides = array<i32>} : memref<1x128xf32, #tpu.memory_space<vmem>>, vector<1x128xf32>,
    return
  }
}

</mosaic_0001>

<sc_bundles>
// kernel: kernel.8.cloned.1.call-start
scs
__scs_entry_jumppad:
0x0: {  	(pc) =	sbr.rel $0x88, $3  }
0x1: {  	(tag) =	ssettag $0x0;
	lr =	simm.s32 $0x1  }
0x2: {  	[smem:$0x3F87] =	sst lr;
	_ =	strace $0xD0000000  }
0x3: {  	_ = 	snop  }
0x4: {  	_ = 	snop  }
0x5: {  	_ = 	snop  }
0x6: {  	_ = 	snop  }
0x7: {  	_ = 	snop  }
__scs_overlays_trampoline_lowered:
0x8: {  	[smem:$0x3F96] =	sst s0  }
0x9: {  	[smem:$0x3F97] =	sst s1  }
0xa: {  	[smem:$0x3F98] =	sst s2  }
0xb: {  	[smem:$0x3F99] =	sst s3  }
0xc: {  	[smem:$0x3F9A] =	sst s4  }
0xd: {  	[smem:$0x3F9B] =	sst s5  }
0xe: {  	[smem:$0x3F9C] =	sst s6  }
0xf: {  	[smem:$0x3F9D] =	sst s7  }
0x10: {  	[smem:$0x3F9E] =	sst s8  }
0x11: {  	[smem:$0x3F9F] =	sst s9;
	s0 =	simm.s32 @!p0 $0x0  }
0x12: {  	s1 =	sld [smem:$0x3F85];
	s0 =	simm.s32 @p0 $0x1  }
0x13: {  	[smem:$0x3FA0] =	sst s0;
	s0 =	simm.s32 @!p1 $0x0  }
0x14: {  	s2 =	sld [smem:$0x3F84];
	s0 =	simm.s32 @p1 $0x1  }
0x15: {  	[smem:$0x3FA1] =	sst s0;
	s0 =	simm.s32 @!p2 $0x0  }
0x16: {  	s3 =	sld [smem:$0x3FDB];
	s0 =	simm.s32 @p2 $0x1  }
0x17: {  	s4 =	simm.s32 $0x1BF5;
	[smem:$0x3FA3] =	sst s0  }
0x18: {  	s0 =	sld [smem:$0x3F86];
	_ =	swait.ge [sflag:s4], $0x0  }
0x19: {  	s7 =	sld [smem:$0x3F87]  }
0x1a: {  	s8 =	sadd.s32 $0xFFFFE003, lr  }
0x1b: {  	s9 =	sadd.s32 $0xFFFFFEF7, lr;
	s5 =	simm.s32 $0xFFFFFFFF;
	p2 =	slt.u32 s8, $0xFFFFF086  }
0x1c: {  	p1 =	slt.u32 s9, $0xF7A;
	s5 =	simm.s32 @!p2 $0x0  }
0x1d: {  	s5 =	simm.s32 @p1 $0x1;
	p0 =	seq.s32 s7, s2  }
0x1e: {  	s7 =	smul.u32 @!p0 $0xF7A, s2;
	p2 =	seq.s32 @!p0 s5, $0x0  }
0x1f: {  	s9 =	smul.u32 $0xF7A, s1;
	s8 =	simm.s32 @!p0 $0x1BF5;
	p2 =	por !p2, p0  }
0x20: {  	[sflag:s8] =	ssyncset.s32 @!p0 $0xFFFFF086;
	s6 =	sadd.s32 @!p0 s3, s7;
	s7 =	simm.s32 @!p0 $0x108  }
0x21: {  	s3 =	sadd.s32 s3, s9;
	s6 =	sadd.s32 @!p0 $0x88, s6;
	s7 =	simm.s32 @p2 $0x1082  }
0x22: {  	[simem:s7], [sflag:s8] =	dma.local @!p0 [hbm:s6], $0xF7A  }
0x23: {  	s9 =	sor.u32 $0xD0000000, s2;
	s6 =	simm.s32 $0x108;
	_ =	swait.ge @!p0 [sflag:s8], $0x0  }
0x24: {  	s3 =	sadd.s32 $0x88, s3;
	s6 =	simm.s32 @!p1 $0x1082;
	[sflag:s4] =	ssyncset.s32 $0xFFFFF086  }
0x25: {  	[simem:s6], [sflag:s4] =	dma.local [hbm:s3], $0xF7A  }
0x26: {  	[smem:$0x3F87] =	sst s1;
	(tag) =	ssettag s2;
	_ =	strace s9  }
0x27: {  	s1 =	sld [smem:$0x3F97]  }
0x28: {  	s2 =	sld [smem:$0x3F98]  }
0x29: {  	s4 =	sld [smem:$0x3F9A]  }
0x2a: {  	p0 =	seq.s32 s5, $0x0;
	s5 =	sld [smem:$0x3F9B]  }
0x2b: {  	s6 =	sld [smem:$0x3F9C]  }
0x2c: {  	s7 =	sld [smem:$0x3F9D]  }
0x2d: {  	s3 =	simm.s32 $0x108;
	s8 =	sld [smem:$0x3F9E]  }
0x2e: {  	s3 =	simm.s32 @!p0 $0x1082;
	s9 =	sld [smem:$0x3F9F]  }
0x2f: {  	lr =	sadd.s32 s0, s3;
	s0 =	sld [smem:$0x3F96]  }
0x30: {  	s3 =	sld [smem:$0x3F99]  }
0x31: {  	[smem:$0x3FA2] =	sst s10  }
0x32: {  	s10 =	sld [smem:$0x3FA0];
	_ =	sdelay $0x3  }
0x33: {  	p0 =	seq.s32 s10, $0x1;
	s10 =	sld [smem:$0x3FA2];
	_ =	sdelay $0x3  }
0x34: {  	[smem:$0x3FA2] =	sst s10  }
0x35: {  	s10 =	sld [smem:$0x3FA1];
	_ =	sdelay $0x3  }
0x36: {  	p1 =	seq.s32 s10, $0x1;
	s10 =	sld [smem:$0x3FA2];
	_ =	sdelay $0x3  }
0x37: {  	[smem:$0x3FA2] =	sst s10  }
0x38: {  	s10 =	sld [smem:$0x3FA3]  }
0x39: {  	_ = 	snop;
	(pc) =	sbr.ind lr, $3  }
0x3a: {  	_ = 	snop  }
0x3b: {  	_ = 	snop  }
0x3c: {  	p2 =	seq.s32 s10, $0x1;
	s10 =	sld [smem:$0x3FA2]  }
0x3d: {  	_ =	shalt  }
0x3e: {  	_ =	shalt  }
0x3f: {  	_ =	shalt  }
0x40: {  	_ =	shalt  }
0x41: {  	_ =	shalt  }
0x42: {  	_ =	shalt  }
0x43: {  	_ =	shalt  }
0x44: {  	_ =	shalt  }
0x45: {  	_ =	shalt  }
0x46: {  	_ =	shalt  }
0x47: {  	_ =	shalt  }
0x48: {  	_ =	shalt  }
0x49: {  	_ =	shalt  }
0x4a: {  	_ =	shalt  }
0x4b: {  	_ =	shalt  }
0x4c: {  	_ =	shalt  }
0x4d: {  	_ =	shalt  }
0x4e: {  	_ =	shalt  }
0x4f: {  	_ =	shalt  }
0x50: {  	_ =	shalt  }
0x51: {  	_ =	shalt  }
0x52: {  	_ =	shalt  }
0x53: {  	_ =	shalt  }
0x54: {  	_ =	shalt  }
0x55: {  	_ =	shalt  }
0x56: {  	_ =	shalt  }
0x57: {  	_ =	shalt  }
0x58: {  	_ =	shalt  }
0x59: {  	_ =	shalt  }
0x5a: {  	_ =	shalt  }
0x5b: {  	_ =	shalt  }
0x5c: {  	_ =	shalt  }
0x5d: {  	_ =	shalt  }
0x5e: {  	_ =	shalt  }
0x5f: {  	_ =	shalt  }
0x60: {  	_ =	shalt  }
0x61: {  	_ =	shalt  }
0x62: {  	_ =	shalt  }
0x63: {  	_ =	shalt  }
0x64: {  	_ =	shalt  }
0x65: {  	_ =	shalt  }
0x66: {  	_ =	shalt  }
0x67: {  	_ =	shalt  }
0x68: {  	_ =	shalt  }
0x69: {  	_ =	shalt  }
0x6a: {  	_ =	shalt  }
0x6b: {  	_ =	shalt  }
0x6c: {  	_ =	shalt  }
0x6d: {  	_ =	shalt  }
0x6e: {  	_ =	shalt  }
0x6f: {  	_ =	shalt  }
0x70: {  	_ =	shalt  }
0x71: {  	_ =	shalt  }
0x72: {  	_ =	shalt  }
0x73: {  	_ =	shalt  }
0x74: {  	_ =	shalt  }
0x75: {  	_ =	shalt  }
0x76: {  	_ =	shalt  }
0x77: {  	_ =	shalt  }
0x78: {  	_ =	shalt  }
0x79: {  	_ =	shalt  }
0x7a: {  	_ =	shalt  }
0x7b: {  	_ =	shalt  }
0x7c: {  	_ =	shalt  }
0x7d: {  	_ =	shalt  }
0x7e: {  	_ =	shalt  }
0x7f: {  	_ =	shalt  }
0x80: {  	_ =	shalt  }
0x81: {  	_ =	shalt  }
0x82: {  	_ =	shalt  }
0x83: {  	_ =	shalt  }
0x84: {  	_ =	shalt  }
0x85: {  	_ =	shalt  }
0x86: {  	_ =	shalt  }
0x87: {  	_ =	shalt  }
.Lfunc_end0:
.L_simem_size_0:
called_computation_lowered:
.L_overlay_start_0:
0x88: {  	s2 =	sld [smem:$0x3FD9]  }
0x89: {  	s3 =	sld [smem:$0x3FFE];
	_ =	sdelay $0x1  }
0x8a: {  	s1 =	srdreg.scid  }
0x8b: {  	s0 =	sand.u32 $0x1, s1  }
0x8c: {  	s14 =	sshll.u32 s0, $0xA;
	s2 =	sadd.s32 s3, s2  }
0x8d: {  	s2 =	sadd.s32 s2, s14  }
0x8e: {  	[smem:$0x3FAE] =	sst s2  }
0x8f: {  	_ = 	snop  }
0x90: {  	s2 =	sld [smem:$0x3FD0];
	_ =	sdelay $0x2  }
0x91: {  	s15 =	simm.s32 $0xA;
	s4 =	simm.s32 $0x10  }
0x92: {  	[smem:s4], [sflag:s15] =	dma.local [hbm:s2], $0x1  }
0x93: {  	_ =	swait.eq [sflag:s15], $0x1  }
0x94: {  	[sflag:s15] =	ssyncset.done $0x0  }
0x95: {  	s16 =	sld [smem:$0x10];
	[sflag:s15] =	ssyncadd.s32 $0xFFFFFFFF  }
0x96: {  	s17 =	sld [smem:$0x11];
	(tm) =	ssettm $0x1  }
0x97: {  	s18 =	sld [smem:$0x3FFB];
	_ =	sdelay $0x3  }
0x98: {  	_ =	strace s18  }
0x99: {  	s4 =	sld [smem:$0x3FFC];
	_ =	sdelay $0x3  }
0x9a: {  	_ =	strace s4  }
0x9b: {  	s4 =	sld [smem:$0x3FFD];
	_ =	sdelay $0x3  }
0x9c: {  	_ =	strace s4  }
0x9d: {  	_ =	strace $0x8FFFFFFF  }
0x9e: {  	s19 =	sld [smem:$0x3FDB];
	_ =	sdelay $0x1  }
0x9f: {  	s5 =	simm.s32 $_scs_section_size  }
0xa0: {  	s6 =	simm.s32 $_size__tile_overlayer_lowered;
	s7 =	simm.s32 $_tile_overlayer_lowered  }
0xa1: {  	s22 =	simm.s32 $0x1BFF;
	s21 =	sshll.u32 s7, $0x1;
	s4 =	sadd.s32 s5, s19  }
0xa2: {  	s8 =	simm.s32 $0x0;
	s20 =	sshll.u32 s6, $0x1;
	s6 =	sadd.s32 s21, s4  }
0xa3: {  	[timem:s8], [sflag:s22] =	dma.local [hbm:s6], s20  }
0xa4: {  	_ =	swait.ge [sflag:s22], s20  }
0xa5: {  	s5 =	ssub.s32 $0x0, s20;
	[sflag:s22] =	ssyncset.done $0x0  }
0xa6: {  	[sflag:s22] =	ssyncadd.s32 s5;
	_ =	sdelay $0x1  }
0xa7: {  	s23 =	simm.s32 $0x1B8B  }
0xa8: {  	_ =	swait.ge [sflag:s23], $0x1  }
0xa9: {  	[sflag:s23] =	ssyncset.done $0x0  }
0xaa: {  	s25 =	simm.s32 $0x1B8E;
	s24 =	sld [smem:$0x3FFE];
	[sflag:s23] =	ssyncadd.s32 $0xFFFFFFFF  }
0xab: {  	s26 =	simm.s32 $execute0_lowered;
	[smem:$0x3FD2] =	sst s25  }
0xac: {  	s6 =	sshll.u32 s26, $0x1;
	_ =	strace $0x80000046;
	[dreg:$0x1] =	wrdreg $0xFFFFFFFF  }
0xad: {  	s28 =	simm.s32 $_size_execute0_lowered;
	s4 =	sadd.s32 s4, s6;
	[dreg:$0x0] =	wrdreg $0x0  }
0xae: {  	s6 =	sshll.u32 s28, $0x1;
	[dreg:$0x2] =	wrdreg s4  }
0xaf: {  	[dreg:$0x3] =	wrdreg s6  }
0xb0: {  	[dreg:$0x4] =	wrdreg $0xC0  }
0xb1: {  	_ =	task [dreg:s8], $0x5FFFF  }
0xb2: {  	[dreg:$0x1] =	wrdreg $0xFFFFFFFF  }
0xb3: {  	[dreg:$0x0] =	wrdreg $0x60  }
0xb4: {  	[dreg:$0x2] =	wrdreg s24  }
0xb5: {  	[dreg:$0x3] =	wrdreg s16  }
0xb6: {  	[dreg:$0x4] =	wrdreg s17  }
0xb7: {  	[dreg:$0x5] =	wrdreg $0x9  }
0xb8: {  	_ =	task.clear_ibuf [dreg:s8], $0x6FFFF;
	_ =	strace $0x90000046  }
0xb9: {  	s29 =	simm.s32 $0x9;
	_ =	strace $0x80000048  }
0xba: {  	_ =	swait.ge [sflag:s29], $0x1  }
0xbb: {  	[sflag:s29] =	ssyncadd.s32 $0xFFFFFFFF  }
0xbc: {  	_ =	strace $0x90000048  }
0xbd: {  	_ =	sfence  }
0xbe: {  	s30 =	sld [smem:$0x0];
	_ =	sdelay $0x2  }
0xbf: {  	s31 =	sshll.u32 s1, $0xD;
	s1 =	sshrl.u32 s1, $0x2  }
0xc0: {  	s3 =	sand.u32 $0x4000, s31;
	s1 =	sadd.s32 s1, s30  }
0xc1: {  	s0 =	sor.u32 s3, s0;
	s1 =	sshll.u32 s1, $0x11  }
0xc2: {  	s0 =	sor.u32 s1, s0  }
0xc3: {  	s0 =	sadd.s32 $0x8F2B, s0  }
0xc4: {  	[sflag:s0] =	ssyncadd.remote.s32 $0x1  }
0xc5: {  	_ =	sfence.sel $0xFFFF  }
0xc6: {  	[dreg:$0x0] =	wrdreg $0xFFFFFFFF;
	(pc) =	sbr.abs _section_cstart, $3  }
0xc7: {  	[dreg:$0x1] =	wrdreg $0xFFFFFFFF  }
0xc8: {  	_ =	task.clear_ibuf [dreg:s8], $0x2FFFF;
	_ =	strace $0x9FFFFFFF  }
0xc9: {  	(tm) =	ssettm $0x7FFFFFFF  }
tec
execute0_lowered:
.L_overlay_start_1:
0x0: {  	(tag) =	ssettag $0x1  }
0x1: {  	s4 =	rddreg [dreg:$0x0]  }
0x2: {  	s0 =	srdreg.scid;
	s5 =	rddreg [dreg:$0x1]  }
0x3: {  	s6 =	rddreg [dreg:$0x2];
	s1 =	stileid.u32  }
0x4: {  	s2 =	simm.s32 $0x0;
	s11 =	simm.s32 $0x1;
	s12 =	simm.s32 $0x4200  }
0x5: {  	s13 =	simm.s32 $0x100;
	s14 =	simm.s32 $0x8200;
	s15 =	simm.s32 $0x10  }
0x6: {  	s16 =	simm.s32 $0x180;
	s17 =	simm.s32 $0xC200;
	s18 =	simm.s32 $0xCA00  }
0x7: {  	s19 =	simm.s32 $0x400;
	s3 =	sand.u32 $0x1, s0;
	s0 =	rddreg [dreg:$0x3]  }
0x8: {  	s20 =	simm.s32 $0x0;
	[smem:$0x7FF] =	sst s2;
	s10 =	sshll.u32 s1, $0x4  }
0x9: {  	s7 =	sshll.u32 s3, $0x4;
	_ =	strace $0x80000047;
	s9 =	ssub.s32 $0x2, s3  }
0xa: {  	s3 =	sadd.s32 $0x5C00, s4;
	s10 =	sand.u32 $0x70, s10;
	s7 =	sor.u32 s1, s7  }
0xb: {  	s30 =	sshrl.u32 s9, $0x1;
	s6 =	sadd.s32 s6, s10;
	s8 =	smul.u32 $0x31, s7  }
0xc: {  	v0 =	vlaneseq.u32;
	s10 =	simm.s32 $0x200;
	s31 =	smul.u32 $0x1880, s7;
	s7 =	sshll.u32 s7, $0xA  }
0xd: {  	v2 =	vmul.u32 $0xFFFFFFFF, v0;
	s7 =	sand.u32 $0x6000, s7;
	s4 =	sadd.s32 s8, s4;
	s8 =	ssub.s32 s9, s30  }
0xe: {  	v1 =	vimm.f32 $0.0e+00;
	s5 =	sadd.s32 s5, s31;
	s6 =	sadd.s32 s7, s6;
	s9 =	simm.s32 $0x80  }
0xf: {  	v3 =	vimm.f32 $1.000000000e+00;
	v0 =	vimm.s32 $0x0;
	v2 =	vadd.s32 $0x188, v2;
	s4 =	sadd.s32 $0x25C00, s4;
	s7 =	smax.u32 s8, $0x1;
	s8 =	simm.s32 $0x2  }
.LBB2_1:
0x10: {  	[tilespmem:$0x180] =	vst v0  }
0x11: {  	[tilespmem:s2], [sflag:$0x2] =	stream.linear.gather [hbm4b:s4+s2], $0x188, $0x38;
	[tilespmem:$0xEA00] =	vst v63  }
0x12: {  	_ =	swait.ge [sflag:s8], $0x188  }
0x13: {  	[sflag:s8] =	ssyncset.done $0x0  }
0x14: {  	[sflag:s8] =	ssyncadd.s32 $0xFFFFFE78  }
0x15: {  	[tilespmem:s10], [sflag:$0x1] =	stream.indirect.gather [hbm4b:s3+s9], $0x80, s2, s9, $0xb8;
	[tilespmem:$0xEA00] =	vst v63  }
0x16: {  	_ =	swait.ge [sflag:s11], $0x4000  }
0x17: {  	[sflag:s11] =	ssyncset.done $0x0  }
0x18: {  	[sflag:s11] =	ssyncadd.s32 $0xFFFFC000  }
0x19: {  	[tilespmem:s12], [sflag:$0x1] =	stream.indirect.gather [hbm4b:s3+s9], $0x80, s9, s9, $0xb8;
	[tilespmem:$0xEA00] =	vst v63  }
0x1a: {  	_ =	swait.ge [sflag:s11], $0x4000  }
0x1b: {  	[sflag:s11] =	ssyncset.done $0x0  }
0x1c: {  	[sflag:s11] =	ssyncadd.s32 $0xFFFFC000  }
0x1d: {  	[tilespmem:s14], [sflag:$0x1] =	stream.indirect.gather [hbm4b:s3+s9], $0x80, s13, s9, $0xb8;
	[tilespmem:$0xEA00] =	vst v63  }
0x1e: {  	_ =	swait.ge [sflag:s11], $0x4000  }
0x1f: {  	[sflag:s11] =	ssyncset.done $0x0  }
0x20: {  	[sflag:s11] =	ssyncadd.s32 $0xFFFFC000  }
0x21: {  	[tilespmem:s17], [sflag:$0x1] =	stream.indirect.gather [hbm4b:s3+s15], $0x80, s16, s15, $0xb8;
	[tilespmem:$0xEA00] =	vst v63  }
0x22: {  	_ =	swait.ge [sflag:s11], $0x800  }
0x23: {  	[sflag:s11] =	ssyncset.done $0x0  }
0x24: {  	[sflag:s11] =	ssyncadd.s32 $0xFFFFF800  }
0x25: {  	[hbm4b:s5+s2] =	stream.linear.scatter [tilespmem:s10], [sflag:$0x2], $0xC400, $0x38;
	[tilespmem:$0xEA00] =	vst v63  }
0x26: {  	_ =	swait.ge [sflag:s8], $0xC400  }
0x27: {  	[sflag:s8] =	ssyncset.done $0x0  }
0x28: {  	s21 =	simm.s32 $0x0;
	[sflag:s8] =	ssyncadd.s32 $0xFFFF3C00  }
.LBB2_2:
0x29: {  	p0 =	sne.s32 s21, $0x7FC0  }
.Ltmp0:
0x2a: {  	_ = 	snop;
	(pc) =	sbr.rel @p0 .LBB2_2-.Ltmp0, $3  }
0x2b: {  	_ =	sdelay $0x1  }
0x2c: {  	s22 =	sshra.s32 s21, $0x2  }
0x2d: {  	s21 =	sadd.s32 $0x40, s21;
	[tilespmem:s22+$0xCA00] =	vst v1  }
0x2e: {  	s21 =	simm.s32 $0x0  }
0x2f: {  	s22 =	simm.s32 $0x10;
	s23 =	simm.s32 $0x0;
	v4 =	vld [tilespmem:s21+$0x0]  }
.LBB2_4:
0x30: {  	p0 =	sne.s32 s22, $0x180;
	v5 =	vmov s21;
	s21 =	smov.u32 s22  }
0x31: {  	vm0 =	vlt.u32 v5, v2;
	_ =	sdelay $0x2  }
.Ltmp1:
0x32: {  	(pc) =	sbr.rel @p0 .LBB2_4-.Ltmp1, $3  }
0x33: {  	_ =	sdelay $0x1  }
0x34: {  	s23 =	sadd.s32 $0x10, s23;
	[tilespmem:v4+s18+$0x0] =	vst.idx.add.f32.msk vm0, v3  }
0x35: {  	s22 =	sadd.s32 $0x10, s22;
	v4 =	vld [tilespmem:s23+$0x0]  }
0x36: {  	_ = 	snop  }
0x37: {  	v5 =	vmov s21  }
0x38: {  	vm0 =	vlt.u32 v5, v2;
	_ =	sdelay $0x3  }
0x39: {  	s20 =	sadd.s32 $0x1, s20  }
0x3a: {  	p0 =	sne.s32 s20, s7  }
.Ltmp2:
0x3b: {  	[tilespmem:v4+s18+$0x0] =	vst.idx.add.f32.msk vm0, v3;
	(pc) =	sbr.rel @p0 .LBB2_1-.Ltmp2, $4  }
0x3c: {  	[hbm4b:s6+s9] =	stream.strided.scatter [tilespmem:s18], [sflag:$0x2], $0x2000, s19, s9, $0x38;
	[tilespmem:$0xEA00] =	vst v63  }
0x3d: {  	_ =	swait.ge [sflag:s8], $0x2000  }
0x3e: {  	[sflag:s8] =	ssyncset.done $0x0  }
0x3f: {  	[sflag:s8] =	ssyncadd.s32 $0xFFFFE000  }
0x40: {  	_ =	sfence.sel $0x180000  }
0x41: {  	[bflag:$0x0] =	sbarrier.arrive $0xFFFF  }
0x42: {  	p0 =	sne.s32 s1, $0x0;
	_ =	strace $0x90000047  }
0x43: {  	s0 =	sadd.s32 @!p0 $0x100000, s0;
	[bflag:$0x2] =	sbarrier.arrive $0xFFFF  }
0x44: {  	[sflag:s0] =	ssyncadd.tile.s32 @!p0 $0x1;
	_ =	shalt  }
.Lfunc_end2:
_tile_overlayer_lowered:
.L_overlay_start_2:
0x45: {  	(tag) =	ssettag $0x2  }
0x46: {  	s0 =	rddreg [dreg:$0x0];
	s2 =	stileid.u32  }
0x47: {  	s1 =	rddreg [dreg:$0x1];
	p0 =	sne.s32 s2, $0x0  }
0x48: {  	s3 =	rddreg [dreg:$0x2];
	[bflag:$0x3] =	sbarrier.arrive $0xFFFF;
	s2 =	simm.s32 @!p0 $0x1C02  }
0x49: {  	[timem:s3], [sflag:s2] =	dma.local @!p0 [hbm:s0], s1  }
0x4a: {  	s0 =	simm.s32 @!p0 $0x2  }
0x4b: {  	_ =	swait.ge @!p0 [sflag:s0], s1  }
0x4c: {  	s1 =	ssub.s32 @!p0 $0x0, s1;
	[sflag:s0] =	ssyncset.done @!p0 $0x0  }
0x4d: {  	[sflag:s0] =	ssyncadd.s32 @!p0 s1  }
0x4e: {  	[bflag:$0x3] =	sbarrier.arrive $0xFFFF  }
0x4f: {  	_ =	shalt  }

</sc_bundles>
